<compile_context>
chip_gen: v7x
topology: tpu7x:2x2x1
jax: 0.10.2.dev20260603
libtpu: 0.0.44.dev20260713+nightly
codegen_flags: <defaults>
</compile_context>

<pallas_src>
import jax
import jax.numpy as jnp
from jax import lax
from jax.experimental import pallas as pl
from jax.experimental.pallas import tpu as pltpu
from jax.experimental.pallas import tpu_sc as plsc

_BM = 1024
_NUM_CORES = 2
_NUM_SUBCORES = 16
_LANES = 16


def _proj_body(h_ref, w_ref, bt_ref, logits_ref):
    h = h_ref[...]
    w = w_ref[...]
    bt = bt_ref[...]
    logits_ref[...] = lax.dot_general(
        w, h, (((0,), (1,)), ((), ())),
        preferred_element_type=jnp.float32) + bt


def _route_body(logits_hbm, probs_hbm, depth_hbm, lbuf, pbuf, dbuf,
                sem_in, sem_p, sem_d):
    c = lax.axis_index("c")
    s = lax.axis_index("s")
    n_tec = _NUM_CORES * _NUM_SUBCORES
    C, n = logits_hbm.shape
    tpt = n // n_tec
    t0 = (c * _NUM_SUBCORES + s) * tpt

    cp_in = pltpu.make_async_copy(
        logits_hbm.at[:, pl.ds(t0, tpt)], lbuf, sem_in)
    cp_in.start()
    cp_in.wait()

    def group(g, carry):
        base = g * _LANES
        l = [lbuf[j, pl.ds(base, _LANES)] for j in range(C)]
        m = l[0]
        for j in range(1, C):
            m = jnp.maximum(m, l[j])
        e = [jnp.exp(x - m) for x in l]
        ssum = e[0]
        for j in range(1, C):
            ssum = ssum + e[j]
        for j in range(C):
            pbuf[j, pl.ds(base, _LANES)] = e[j] / ssum
        idx = jnp.full((_LANES,), C - 1, dtype=jnp.int32)
        for j in range(C - 2, -1, -1):
            idx = jnp.where(l[j] == m, jnp.full((_LANES,), j, jnp.int32), idx)
        dbuf[pl.ds(base, _LANES)] = idx + 1
        return carry

    lax.fori_loop(0, tpt // _LANES, group, 0)

    cp_p = pltpu.make_async_copy(pbuf, probs_hbm.at[:, pl.ds(t0, tpt)], sem_p)
    cp_d = pltpu.make_async_copy(dbuf, depth_hbm.at[0, pl.ds(t0, tpt)], sem_d)
    cp_p.start()
    cp_d.start()
    cp_p.wait()
    cp_d.wait()


def kernel(hidden_states, W, b):
    B, S, D = hidden_states.shape
    C = W.shape[-1]
    N = B * S
    h2 = hidden_states.reshape(N, D)
    bt = b.reshape(C, 1)

    logitsT = pl.pallas_call(
        _proj_body,
        grid=(N // _BM,),
        in_specs=[
            pl.BlockSpec((_BM, D), lambda i: (i, 0)),
            pl.BlockSpec((D, C), lambda i: (0, 0)),
            pl.BlockSpec((C, 1), lambda i: (0, 0)),
        ],
        out_specs=pl.BlockSpec((C, _BM), lambda i: (0, i)),
        out_shape=jax.ShapeDtypeStruct((C, N), jnp.float32),
        compiler_params=pltpu.CompilerParams(
            dimension_semantics=("arbitrary",),
        ),
    )(h2, W, bt)

    tpt = N // (_NUM_CORES * _NUM_SUBCORES)
    probsT, depthT = pl.kernel(
        _route_body,
        out_type=[
            jax.ShapeDtypeStruct((C, N), jnp.float32),
            jax.ShapeDtypeStruct((1, N), jnp.int32),
        ],
        mesh=plsc.VectorSubcoreMesh(
            core_axis_name="c", subcore_axis_name="s",
            num_cores=_NUM_CORES, num_subcores=_NUM_SUBCORES),
        scratch_types=[
            pltpu.VMEM((C, tpt), jnp.float32),
            pltpu.VMEM((C, tpt), jnp.float32),
            pltpu.VMEM((tpt,), jnp.int32),
            pltpu.SemaphoreType.DMA,
            pltpu.SemaphoreType.DMA,
            pltpu.SemaphoreType.DMA,
        ],
    )(logitsT)

    depth_values = depthT.reshape(B, S)
    last_loss = jnp.zeros((), dtype=jnp.float32)
    return (depth_values, probsT.T.reshape(B, S, C),
            logitsT.T.reshape(B, S, C), last_loss)

# --- scband reference (transcript-rebuilt; emitter-appended) ---
"""Pipeline reference for scband-token-choice-router-29016799052557 (READ-ONLY COPY).

The authoritative reference and input builder live on the scoring server;
editing this copy changes nothing except your own understanding.
"""

import jax, jax.numpy as jnp
import numpy as np

D_MODEL = 2048
DEPTH_CHOICES = 8
MIN_DEPTH = 1
TEMPERATURE = 1.0

def setup_inputs(seed: int = 0) -> dict:
    key = jax.random.key(seed)
    k1, k2 = jax.random.split(key)
    hidden_states = jax.random.normal(k1, (4, 8192, D_MODEL), dtype=jnp.float32)
    W = jax.random.normal(k2, (D_MODEL, DEPTH_CHOICES), dtype=jnp.float32) * 0.02
    b = jnp.zeros((DEPTH_CHOICES,), dtype=jnp.float32)
    return {"hidden_states": hidden_states, "W": W, "b": b}

def reference(hidden_states, W, b):
    # proj = nn.Linear(d_model, depth_choices)
    logits = jnp.dot(hidden_states, W) + b
    # straight_through=False branch: softmax + argmax
    probs = jax.nn.softmax(logits / TEMPERATURE, axis=-1)
    depths_idx = jnp.argmax(probs, axis=-1)
    depth_values = depths_idx + MIN_DEPTH
    # entropy_reg == 0 -> last_loss = 0.0
    last_loss = jnp.zeros((), dtype=logits.dtype)
    return (depth_values, probs, logits, last_loss)

if __name__ == "__main__":
    import jax
    _d = setup_inputs()
    print(jax.jit(kernel)(*tuple(_d.values())))

</pallas_src>

<mosaic_0001>
#map = affine_map<(d0, d1) -> (0, 0)>
module attributes {stable_mosaic.version = 14 : i64} {
  func.func @_route_body(%arg0: i32, %arg1: i32, %arg2: memref<8x32768xf32, #tpu.memory_space<hbm>>, %arg3: memref<8x32768xf32, #tpu.memory_space<hbm>>, %arg4: memref<1x32768xi32, #tpu.memory_space<hbm>>, %arg5: memref<8x1024xf32, #tpu.memory_space<vmem>>, %arg6: memref<8x1024xf32, #tpu.memory_space<vmem>>, %arg7: memref<1024xi32, #tpu.memory_space<vmem>>, %arg8: memref<!tpu.dma_semaphore, #tpu.memory_space<semaphore_mem>>, %arg9: memref<!tpu.dma_semaphore, #tpu.memory_space<semaphore_mem>>, %arg10: memref<!tpu.dma_semaphore, #tpu.memory_space<semaphore_mem>>) attributes {dimension_semantics = [#tpu.dimension_semantics<core_parallel>, #tpu.dimension_semantics<subcore_parallel>], iteration_bounds = array<i64: 2, 16>, scalar_prefetch = 0 : i64, scratch_operands = 6 : i64, tpu.core_type = #tpu.core_type<sc_vector_subcore>, window_params = [{transform_indices = #map}, {transform_indices = #map}, {transform_indices = #map}]} {
    %mul3A = arith.constant 16 : i32
    %mul3A_0 = arith.muli %arg0, %mul3A : i32
    %add3A = arith.addi %mul3A_0, %arg1 : i32
    %mul3A_1 = arith.constant 1024 : i32
    %mul3A_2 = arith.muli %add3A, %mul3A_1 : i32
    %dma_start3A = arith.constant 0 : i32
    %dma_start3A_3 = tpu.memref_slice %arg2[%dma_start3A, %mul3A_2] : memref<8x32768xf32, #tpu.memory_space<hbm>> -> memref<8x1024xf32, #tpu.memory_space<hbm>>
    %dma_start3A_4 = arith.constant 0 : i32
    %dma_start3A_5 = tpu.memref_slice %arg2[%dma_start3A_4, %mul3A_2] : memref<8x32768xf32, #tpu.memory_space<hbm>> -> memref<8x1024xf32, #tpu.memory_space<hbm>>
    tpu.enqueue_dma source(%dma_start3A_5 : memref<8x1024xf32, #tpu.memory_space<hbm>>) target(%arg5 : memref<8x1024xf32, #tpu.memory_space<vmem>>) target_semaphore(%arg8 : memref<!tpu.dma_semaphore, #tpu.memory_space<semaphore_mem>>)
    %dma_wait3A = arith.constant 0 : i32
    %dma_wait3A_6 = tpu.memref_slice %arg2[%dma_wait3A, %mul3A_2] : memref<8x32768xf32, #tpu.memory_space<hbm>> -> memref<8x1024xf32, #tpu.memory_space<hbm>>
    %dma_wait3A_7 = arith.constant 0 : i32
    %dma_wait3A_8 = tpu.memref_slice %arg2[%dma_wait3A_7, %mul3A_2] : memref<8x32768xf32, #tpu.memory_space<hbm>> -> memref<8x1024xf32, #tpu.memory_space<hbm>>
    tpu.wait_dma2 semaphore(%arg8 : memref<!tpu.dma_semaphore, #tpu.memory_space<semaphore_mem>>) src(%dma_wait3A_8 : memref<8x1024xf32, #tpu.memory_space<hbm>>) dst(%arg5 : memref<8x1024xf32, #tpu.memory_space<vmem>>)
    %scan3A = arith.constant 0 : i32
    %scan3A_9 = arith.constant 0 : i32
    %scan3A_10 = arith.constant 64 : i32
    %scan3A_11 = arith.addi %scan3A_9, %scan3A_10 : i32
    %scan3A_12 = arith.constant 1 : i32
    scf.for %scan3A_32 = %scan3A_9 to %scan3A_11 step %scan3A_12  : i32 {
      %mul3A_33 = arith.constant 16 : i32
      %mul3A_34 = arith.muli %scan3A_32, %mul3A_33 : i32
      %get3A = arith.constant 0 : i32
      %get3A_35 = arith.index_cast %get3A : i32 to index
      %get3A_36 = arith.index_cast %mul3A_34 : i32 to index
      %get3A_37 = tpu.vector_load %arg5[%get3A_35, %get3A_36] {strides = array<i32>} : memref<8x1024xf32, #tpu.memory_space<vmem>>, vector<1x16xf32>,
      %get3A_38 = vector.shape_cast %get3A_37 : vector<1x16xf32> to vector<16xf32>
      %get3A_39 = arith.constant 1 : i32
      %get3A_40 = arith.index_cast %get3A_39 : i32 to index
      %get3A_41 = arith.index_cast %mul3A_34 : i32 to index
      %get3A_42 = tpu.vector_load %arg5[%get3A_40, %get3A_41] {strides = array<i32>} : memref<8x1024xf32, #tpu.memory_space<vmem>>, vector<1x16xf32>,
      %get3A_43 = vector.shape_cast %get3A_42 : vector<1x16xf32> to vector<16xf32>
      %get3A_44 = arith.constant 2 : i32
      %get3A_45 = arith.index_cast %get3A_44 : i32 to index
      %get3A_46 = arith.index_cast %mul3A_34 : i32 to index
      %get3A_47 = tpu.vector_load %arg5[%get3A_45, %get3A_46] {strides = array<i32>} : memref<8x1024xf32, #tpu.memory_space<vmem>>, vector<1x16xf32>,
      %get3A_48 = vector.shape_cast %get3A_47 : vector<1x16xf32> to vector<16xf32>
      %get3A_49 = arith.constant 3 : i32
      %get3A_50 = arith.index_cast %get3A_49 : i32 to index
      %get3A_51 = arith.index_cast %mul3A_34 : i32 to index
      %get3A_52 = tpu.vector_load %arg5[%get3A_50, %get3A_51] {strides = array<i32>} : memref<8x1024xf32, #tpu.memory_space<vmem>>, vector<1x16xf32>,
      %get3A_53 = vector.shape_cast %get3A_52 : vector<1x16xf32> to vector<16xf32>
      %get3A_54 = arith.constant 4 : i32
      %get3A_55 = arith.index_cast %get3A_54 : i32 to index
      %get3A_56 = arith.index_cast %mul3A_34 : i32 to index
      %get3A_57 = tpu.vector_load %arg5[%get3A_55, %get3A_56] {strides = array<i32>} : memref<8x1024xf32, #tpu.memory_space<vmem>>, vector<1x16xf32>,
      %get3A_58 = vector.shape_cast %get3A_57 : vector<1x16xf32> to vector<16xf32>
      %get3A_59 = arith.constant 5 : i32
      %get3A_60 = arith.index_cast %get3A_59 : i32 to index
      %get3A_61 = arith.index_cast %mul3A_34 : i32 to index
      %get3A_62 = tpu.vector_load %arg5[%get3A_60, %get3A_61] {strides = array<i32>} : memref<8x1024xf32, #tpu.memory_space<vmem>>, vector<1x16xf32>,
      %get3A_63 = vector.shape_cast %get3A_62 : vector<1x16xf32> to vector<16xf32>
      %get3A_64 = arith.constant 6 : i32
      %get3A_65 = arith.index_cast %get3A_64 : i32 to index
      %get3A_66 = arith.index_cast %mul3A_34 : i32 to index
      %get3A_67 = tpu.vector_load %arg5[%get3A_65, %get3A_66] {strides = array<i32>} : memref<8x1024xf32, #tpu.memory_space<vmem>>, vector<1x16xf32>,
      %get3A_68 = vector.shape_cast %get3A_67 : vector<1x16xf32> to vector<16xf32>
      %get3A_69 = arith.constant 7 : i32
      %get3A_70 = arith.index_cast %get3A_69 : i32 to index
      %get3A_71 = arith.index_cast %mul3A_34 : i32 to index
      %get3A_72 = tpu.vector_load %arg5[%get3A_70, %get3A_71] {strides = array<i32>} : memref<8x1024xf32, #tpu.memory_space<vmem>>, vector<1x16xf32>,
      %get3A_73 = vector.shape_cast %get3A_72 : vector<1x16xf32> to vector<16xf32>
      %max3A = arith.maximumf %get3A_38, %get3A_43 : vector<16xf32>
      %max3A_74 = arith.maximumf %max3A, %get3A_48 : vector<16xf32>
      %max3A_75 = arith.maximumf %max3A_74, %get3A_53 : vector<16xf32>
      %max3A_76 = arith.maximumf %max3A_75, %get3A_58 : vector<16xf32>
      %max3A_77 = arith.maximumf %max3A_76, %get3A_63 : vector<16xf32>
      %max3A_78 = arith.maximumf %max3A_77, %get3A_68 : vector<16xf32>
      %max3A_79 = arith.maximumf %max3A_78, %get3A_73 : vector<16xf32>
      %sub3A = arith.subf %get3A_38, %max3A_79 : vector<16xf32>
      %exp3A = math.exp %sub3A : vector<16xf32>
      %sub3A_80 = arith.subf %get3A_43, %max3A_79 : vector<16xf32>
      %exp3A_81 = math.exp %sub3A_80 : vector<16xf32>
      %sub3A_82 = arith.subf %get3A_48, %max3A_79 : vector<16xf32>
      %exp3A_83 = math.exp %sub3A_82 : vector<16xf32>
      %sub3A_84 = arith.subf %get3A_53, %max3A_79 : vector<16xf32>
      %exp3A_85 = math.exp %sub3A_84 : vector<16xf32>
      %sub3A_86 = arith.subf %get3A_58, %max3A_79 : vector<16xf32>
      %exp3A_87 = math.exp %sub3A_86 : vector<16xf32>
      %sub3A_88 = arith.subf %get3A_63, %max3A_79 : vector<16xf32>
      %exp3A_89 = math.exp %sub3A_88 : vector<16xf32>
      %sub3A_90 = arith.subf %get3A_68, %max3A_79 : vector<16xf32>
      %exp3A_91 = math.exp %sub3A_90 : vector<16xf32>
      %sub3A_92 = arith.subf %get3A_73, %max3A_79 : vector<16xf32>
      %exp3A_93 = math.exp %sub3A_92 : vector<16xf32>
      %add3A_94 = arith.addf %exp3A, %exp3A_81 : vector<16xf32>
      %add3A_95 = arith.addf %add3A_94, %exp3A_83 : vector<16xf32>
      %add3A_96 = arith.addf %add3A_95, %exp3A_85 : vector<16xf32>
      %add3A_97 = arith.addf %add3A_96, %exp3A_87 : vector<16xf32>
      %add3A_98 = arith.addf %add3A_97, %exp3A_89 : vector<16xf32>
      %add3A_99 = arith.addf %add3A_98, %exp3A_91 : vector<16xf32>
      %add3A_100 = arith.addf %add3A_99, %exp3A_93 : vector<16xf32>
      %div3A = arith.divf %exp3A, %add3A_100 : vector<16xf32>
      %swap3A = arith.constant 0 : i32
      %swap3A_101 = arith.index_cast %swap3A : i32 to index
      %swap3A_102 = arith.index_cast %mul3A_34 : i32 to index
      %swap3A_103 = tpu.vector_load %arg6[%swap3A_101, %swap3A_102] {strides = array<i32>} : memref<8x1024xf32, #tpu.memory_space<vmem>>, vector<1x16xf32>,
      %swap3A_104 = vector.shape_cast %swap3A_103 : vector<1x16xf32> to vector<16xf32>
      %swap3A_105 = vector.shape_cast %div3A : vector<16xf32> to vector<1x16xf32>
      tpu.vector_store %arg6[%swap3A_101, %swap3A_102], %swap3A_105 {strides = array<i32>} : memref<8x1024xf32, #tpu.memory_space<vmem>>, vector<1x16xf32>,
      %div3A_106 = arith.divf %exp3A_81, %add3A_100 : vector<16xf32>
      %swap3A_107 = arith.constant 1 : i32
      %swap3A_108 = arith.index_cast %swap3A_107 : i32 to index
      %swap3A_109 = arith.index_cast %mul3A_34 : i32 to index
      %swap3A_110 = tpu.vector_load %arg6[%swap3A_108, %swap3A_109] {strides = array<i32>} : memref<8x1024xf32, #tpu.memory_space<vmem>>, vector<1x16xf32>,
      %swap3A_111 = vector.shape_cast %swap3A_110 : vector<1x16xf32> to vector<16xf32>
      %swap3A_112 = vector.shape_cast %div3A_106 : vector<16xf32> to vector<1x16xf32>
      tpu.vector_store %arg6[%swap3A_108, %swap3A_109], %swap3A_112 {strides = array<i32>} : memref<8x1024xf32, #tpu.memory_space<vmem>>, vector<1x16xf32>,
      %div3A_113 = arith.divf %exp3A_83, %add3A_100 : vector<16xf32>
      %swap3A_114 = arith.constant 2 : i32
      %swap3A_115 = arith.index_cast %swap3A_114 : i32 to index
      %swap3A_116 = arith.index_cast %mul3A_34 : i32 to index
      %swap3A_117 = tpu.vector_load %arg6[%swap3A_115, %swap3A_116] {strides = array<i32>} : memref<8x1024xf32, #tpu.memory_space<vmem>>, vector<1x16xf32>,
      %swap3A_118 = vector.shape_cast %swap3A_117 : vector<1x16xf32> to vector<16xf32>
      %swap3A_119 = vector.shape_cast %div3A_113 : vector<16xf32> to vector<1x16xf32>
      tpu.vector_store %arg6[%swap3A_115, %swap3A_116], %swap3A_119 {strides = array<i32>} : memref<8x1024xf32, #tpu.memory_space<vmem>>, vector<1x16xf32>,
      %div3A_120 = arith.divf %exp3A_85, %add3A_100 : vector<16xf32>
      %swap3A_121 = arith.constant 3 : i32
      %swap3A_122 = arith.index_cast %swap3A_121 : i32 to index
      %swap3A_123 = arith.index_cast %mul3A_34 : i32 to index
      %swap3A_124 = tpu.vector_load %arg6[%swap3A_122, %swap3A_123] {strides = array<i32>} : memref<8x1024xf32, #tpu.memory_space<vmem>>, vector<1x16xf32>,
      %swap3A_125 = vector.shape_cast %swap3A_124 : vector<1x16xf32> to vector<16xf32>
      %swap3A_126 = vector.shape_cast %div3A_120 : vector<16xf32> to vector<1x16xf32>
      tpu.vector_store %arg6[%swap3A_122, %swap3A_123], %swap3A_126 {strides = array<i32>} : memref<8x1024xf32, #tpu.memory_space<vmem>>, vector<1x16xf32>,
      %div3A_127 = arith.divf %exp3A_87, %add3A_100 : vector<16xf32>
      %swap3A_128 = arith.constant 4 : i32
      %swap3A_129 = arith.index_cast %swap3A_128 : i32 to index
      %swap3A_130 = arith.index_cast %mul3A_34 : i32 to index
      %swap3A_131 = tpu.vector_load %arg6[%swap3A_129, %swap3A_130] {strides = array<i32>} : memref<8x1024xf32, #tpu.memory_space<vmem>>, vector<1x16xf32>,
      %swap3A_132 = vector.shape_cast %swap3A_131 : vector<1x16xf32> to vector<16xf32>
      %swap3A_133 = vector.shape_cast %div3A_127 : vector<16xf32> to vector<1x16xf32>
      tpu.vector_store %arg6[%swap3A_129, %swap3A_130], %swap3A_133 {strides = array<i32>} : memref<8x1024xf32, #tpu.memory_space<vmem>>, vector<1x16xf32>,
      %div3A_134 = arith.divf %exp3A_89, %add3A_100 : vector<16xf32>
      %swap3A_135 = arith.constant 5 : i32
      %swap3A_136 = arith.index_cast %swap3A_135 : i32 to index
      %swap3A_137 = arith.index_cast %mul3A_34 : i32 to index
      %swap3A_138 = tpu.vector_load %arg6[%swap3A_136, %swap3A_137] {strides = array<i32>} : memref<8x1024xf32, #tpu.memory_space<vmem>>, vector<1x16xf32>,
      %swap3A_139 = vector.shape_cast %swap3A_138 : vector<1x16xf32> to vector<16xf32>
      %swap3A_140 = vector.shape_cast %div3A_134 : vector<16xf32> to vector<1x16xf32>
      tpu.vector_store %arg6[%swap3A_136, %swap3A_137], %swap3A_140 {strides = array<i32>} : memref<8x1024xf32, #tpu.memory_space<vmem>>, vector<1x16xf32>,
      %div3A_141 = arith.divf %exp3A_91, %add3A_100 : vector<16xf32>
      %swap3A_142 = arith.constant 6 : i32
      %swap3A_143 = arith.index_cast %swap3A_142 : i32 to index
      %swap3A_144 = arith.index_cast %mul3A_34 : i32 to index
      %swap3A_145 = tpu.vector_load %arg6[%swap3A_143, %swap3A_144] {strides = array<i32>} : memref<8x1024xf32, #tpu.memory_space<vmem>>, vector<1x16xf32>,
      %swap3A_146 = vector.shape_cast %swap3A_145 : vector<1x16xf32> to vector<16xf32>
      %swap3A_147 = vector.shape_cast %div3A_141 : vector<16xf32> to vector<1x16xf32>
      tpu.vector_store %arg6[%swap3A_143, %swap3A_144], %swap3A_147 {strides = array<i32>} : memref<8x1024xf32, #tpu.memory_space<vmem>>, vector<1x16xf32>,
      %div3A_148 = arith.divf %exp3A_93, %add3A_100 : vector<16xf32>
      %swap3A_149 = arith.constant 7 : i32
      %swap3A_150 = arith.index_cast %swap3A_149 : i32 to index
      %swap3A_151 = arith.index_cast %mul3A_34 : i32 to index
      %swap3A_152 = tpu.vector_load %arg6[%swap3A_150, %swap3A_151] {strides = array<i32>} : memref<8x1024xf32, #tpu.memory_space<vmem>>, vector<1x16xf32>,
      %swap3A_153 = vector.shape_cast %swap3A_152 : vector<1x16xf32> to vector<16xf32>
      %swap3A_154 = vector.shape_cast %div3A_148 : vector<16xf32> to vector<1x16xf32>
      tpu.vector_store %arg6[%swap3A_150, %swap3A_151], %swap3A_154 {strides = array<i32>} : memref<8x1024xf32, #tpu.memory_space<vmem>>, vector<1x16xf32>,
      %broadcast_in_dim3A = arith.constant 7 : i32
      %broadcast_in_dim3A_155 = vector.broadcast %broadcast_in_dim3A : i32 to vector<16xi32>
      %eq3A = arith.cmpf oeq, %get3A_68, %max3A_79 : vector<16xf32>
      %broadcast_in_dim3A_156 = arith.constant 6 : i32
      %broadcast_in_dim3A_157 = vector.broadcast %broadcast_in_dim3A_156 : i32 to vector<16xi32>
      %select_n3A = arith.select %eq3A, %broadcast_in_dim3A_157, %broadcast_in_dim3A_155 : vector<16xi1>, vector<16xi32>
      %eq3A_158 = arith.cmpf oeq, %get3A_63, %max3A_79 : vector<16xf32>
      %broadcast_in_dim3A_159 = arith.constant 5 : i32
      %broadcast_in_dim3A_160 = vector.broadcast %broadcast_in_dim3A_159 : i32 to vector<16xi32>
      %select_n3A_161 = arith.select %eq3A_158, %broadcast_in_dim3A_160, %select_n3A : vector<16xi1>, vector<16xi32>
      %eq3A_162 = arith.cmpf oeq, %get3A_58, %max3A_79 : vector<16xf32>
      %broadcast_in_dim3A_163 = arith.constant 4 : i32
      %broadcast_in_dim3A_164 = vector.broadcast %broadcast_in_dim3A_163 : i32 to vector<16xi32>
      %select_n3A_165 = arith.select %eq3A_162, %broadcast_in_dim3A_164, %select_n3A_161 : vector<16xi1>, vector<16xi32>
      %eq3A_166 = arith.cmpf oeq, %get3A_53, %max3A_79 : vector<16xf32>
      %broadcast_in_dim3A_167 = arith.constant 3 : i32
      %broadcast_in_dim3A_168 = vector.broadcast %broadcast_in_dim3A_167 : i32 to vector<16xi32>
      %select_n3A_169 = arith.select %eq3A_166, %broadcast_in_dim3A_168, %select_n3A_165 : vector<16xi1>, vector<16xi32>
      %eq3A_170 = arith.cmpf oeq, %get3A_48, %max3A_79 : vector<16xf32>
      %broadcast_in_dim3A_171 = arith.constant 2 : i32
      %broadcast_in_dim3A_172 = vector.broadcast %broadcast_in_dim3A_171 : i32 to vector<16xi32>
      %select_n3A_173 = arith.select %eq3A_170, %broadcast_in_dim3A_172, %select_n3A_169 : vector<16xi1>, vector<16xi32>
      %eq3A_174 = arith.cmpf oeq, %get3A_43, %max3A_79 : vector<16xf32>
      %broadcast_in_dim3A_175 = arith.constant 1 : i32
      %broadcast_in_dim3A_176 = vector.broadcast %broadcast_in_dim3A_175 : i32 to vector<16xi32>
      %select_n3A_177 = arith.select %eq3A_174, %broadcast_in_dim3A_176, %select_n3A_173 : vector<16xi1>, vector<16xi32>
      %eq3A_178 = arith.cmpf oeq, %get3A_38, %max3A_79 : vector<16xf32>
      %broadcast_in_dim3A_179 = arith.constant 0 : i32
      %broadcast_in_dim3A_180 = vector.broadcast %broadcast_in_dim3A_179 : i32 to vector<16xi32>
      %select_n3A_181 = arith.select %eq3A_178, %broadcast_in_dim3A_180, %select_n3A_177 : vector<16xi1>, vector<16xi32>
      %add3A_182 = arith.constant 1 : i32
      %add3A_183 = vector.broadcast %add3A_182 : i32 to vector<16xi32>
      %add3A_184 = arith.addi %select_n3A_181, %add3A_183 : vector<16xi32>
      %swap3A_185 = arith.index_cast %mul3A_34 : i32 to index
      %swap3A_186 = tpu.vector_load %arg7[%swap3A_185] {strides = array<i32>} : memref<1024xi32, #tpu.memory_space<vmem>>, vector<16xi32>,
      %swap3A_187 = vector.shape_cast %swap3A_186 : vector<16xi32> to vector<16xi32>
      %swap3A_188 = vector.shape_cast %add3A_184 : vector<16xi32> to vector<16xi32>
      tpu.vector_store %arg7[%swap3A_185], %swap3A_188 {strides = array<i32>} : memref<1024xi32, #tpu.memory_space<vmem>>, vector<16xi32>,
    }
    %scan3A_13 = arith.constant 64 : i32
    %dma_start3A_14 = arith.constant 0 : i32
    %dma_start3A_15 = tpu.memref_slice %arg3[%dma_start3A_14, %mul3A_2] : memref<8x32768xf32, #tpu.memory_space<hbm>> -> memref<8x1024xf32, #tpu.memory_space<hbm>>
    %dma_start3A_16 = arith.constant 0 : i32
    %dma_start3A_17 = tpu.memref_slice %arg3[%dma_start3A_16, %mul3A_2] : memref<8x32768xf32, #tpu.memory_space<hbm>> -> memref<8x1024xf32, #tpu.memory_space<hbm>>
    tpu.enqueue_dma source(%arg6 : memref<8x1024xf32, #tpu.memory_space<vmem>>) target(%dma_start3A_17 : memref<8x1024xf32, #tpu.memory_space<hbm>>) target_semaphore(%arg9 : memref<!tpu.dma_semaphore, #tpu.memory_space<semaphore_mem>>)
    %dma_start3A_18 = arith.constant 0 : i32
    %dma_start3A_19 = tpu.memref_slice %arg4[%dma_start3A_18, %mul3A_2] : memref<1x32768xi32, #tpu.memory_space<hbm>> -> memref<1x1024xi32, #tpu.memory_space<hbm>>
    %dma_start3A_20 = tpu.memref_squeeze %dma_start3A_19 : memref<1x1024xi32, #tpu.memory_space<hbm>> -> memref<1024xi32, #tpu.memory_space<hbm>>
    %dma_start3A_21 = tpu.memref_slice %arg4[%dma_start3A_18, %mul3A_2] : memref<1x32768xi32, #tpu.memory_space<hbm>> -> memref<1x1024xi32, #tpu.memory_space<hbm>>
    %dma_start3A_22 = tpu.memref_squeeze %dma_start3A_21 : memref<1x1024xi32, #tpu.memory_space<hbm>> -> memref<1024xi32, #tpu.memory_space<hbm>>
    tpu.enqueue_dma source(%arg7 : memref<1024xi32, #tpu.memory_space<vmem>>) target(%dma_start3A_22 : memref<1024xi32, #tpu.memory_space<hbm>>) target_semaphore(%arg10 : memref<!tpu.dma_semaphore, #tpu.memory_space<semaphore_mem>>)
    %dma_wait3A_23 = arith.constant 0 : i32
    %dma_wait3A_24 = tpu.memref_slice %arg3[%dma_wait3A_23, %mul3A_2] : memref<8x32768xf32, #tpu.memory_space<hbm>> -> memref<8x1024xf32, #tpu.memory_space<hbm>>
    %dma_wait3A_25 = arith.constant 0 : i32
    %dma_wait3A_26 = tpu.memref_slice %arg3[%dma_wait3A_25, %mul3A_2] : memref<8x32768xf32, #tpu.memory_space<hbm>> -> memref<8x1024xf32, #tpu.memory_space<hbm>>
    tpu.wait_dma2 semaphore(%arg9 : memref<!tpu.dma_semaphore, #tpu.memory_space<semaphore_mem>>) src(%arg6 : memref<8x1024xf32, #tpu.memory_space<vmem>>) dst(%dma_wait3A_26 : memref<8x1024xf32, #tpu.memory_space<hbm>>)
    %dma_wait3A_27 = arith.constant 0 : i32
    %dma_wait3A_28 = tpu.memref_slice %arg4[%dma_wait3A_27, %mul3A_2] : memref<1x32768xi32, #tpu.memory_space<hbm>> -> memref<1x1024xi32, #tpu.memory_space<hbm>>
    %dma_wait3A_29 = tpu.memref_squeeze %dma_wait3A_28 : memref<1x1024xi32, #tpu.memory_space<hbm>> -> memref<1024xi32, #tpu.memory_space<hbm>>
    %dma_wait3A_30 = tpu.memref_slice %arg4[%dma_wait3A_27, %mul3A_2] : memref<1x32768xi32, #tpu.memory_space<hbm>> -> memref<1x1024xi32, #tpu.memory_space<hbm>>
    %dma_wait3A_31 = tpu.memref_squeeze %dma_wait3A_30 : memref<1x1024xi32, #tpu.memory_space<hbm>> -> memref<1024xi32, #tpu.memory_space<hbm>>
    tpu.wait_dma2 semaphore(%arg10 : memref<!tpu.dma_semaphore, #tpu.memory_space<semaphore_mem>>) src(%arg7 : memref<1024xi32, #tpu.memory_space<vmem>>) dst(%dma_wait3A_31 : memref<1024xi32, #tpu.memory_space<hbm>>)
    return
  }
}

module attributes {stable_mosaic.version = 14 : i64} {
  func.func @_proj_body(%arg0: i32, %arg1: memref<1024x2048xf32, #tpu.memory_space<vmem>>, %arg2: memref<2048x8xf32, #tpu.memory_space<vmem>>, %arg3: memref<8x1xf32, #tpu.memory_space<vmem>>, %arg4: memref<8x1024xf32, #tpu.memory_space<vmem>>) attributes {dimension_semantics = [#tpu.dimension_semantics<arbitrary>], iteration_bounds = array<i64: 32>, scalar_prefetch = 0 : i64, scratch_operands = 0 : i64, tpu.core_type = #tpu.core_type<tc>, window_params = [{transform_indices = @transform_0, window_bounds = array<i64: 1024, 2048>}, {pipeline_mode = #tpu.pipeline_mode<synchronous>, transform_indices = @transform_1, window_bounds = array<i64: 2048, 8>}, {pipeline_mode = #tpu.pipeline_mode<synchronous>, transform_indices = @transform_2, window_bounds = array<i64: 8, 1>}, {transform_indices = @transform_3, window_bounds = array<i64: 8, 1024>}]} {
    %get3A = arith.constant 0 : index
    %get3A_0 = arith.constant 0 : index
    %get3A_1 = vector.load %arg1[%get3A, %get3A_0] : memref<1024x2048xf32, #tpu.memory_space<vmem>>, vector<1024x2048xf32>
    %get3A_2 = arith.constant 0 : index
    %get3A_3 = arith.constant 0 : index
    %get3A_4 = vector.load %arg2[%get3A_2, %get3A_3] : memref<2048x8xf32, #tpu.memory_space<vmem>>, vector<2048x8xf32>
    %get3A_5 = arith.constant 0 : index
    %get3A_6 = arith.constant 0 : index
    %get3A_7 = vector.load %arg3[%get3A_5, %get3A_6] : memref<8x1xf32, #tpu.memory_space<vmem>>, vector<8x1xf32>
    %dot_general3A = arith.constant dense<0.000000e+00> : vector<8x1024xf32>
    %dot_general3A_8 = tpu.matmul %get3A_4, %get3A_1, %dot_general3A {dimension_numbers = #tpu.dot_dimension_numbers<[0], [1], [1], [0], [0, 1, 1, 0], [], []>, transpose_lhs_hint = false} : vector<2048x8xf32>, vector<1024x2048xf32>, vector<8x1024xf32> -> vector<8x1024xf32>
    %add3A = vector.broadcast %get3A_7 : vector<8x1xf32> to vector<8x1024xf32>
    %add3A_9 = arith.addf %dot_general3A_8, %add3A : vector<8x1024xf32>
    %swap3A = arith.constant 0 : index
    %swap3A_10 = arith.constant 0 : index
    %swap3A_11 = vector.load %arg4[%swap3A, %swap3A_10] : memref<8x1024xf32, #tpu.memory_space<vmem>>, vector<8x1024xf32>
    tpu.vector_store %arg4[%swap3A, %swap3A_10], %add3A_9 {strides = array<i32>} : memref<8x1024xf32, #tpu.memory_space<vmem>>, vector<8x1024xf32>,
    return
  }
  func.func @transform_0(%arg0: i32) -> (i32, i32) {
    %c0_i32 = arith.constant 0 : i32
    %c0_i32_0 = arith.constant 0 : i32
    return %arg0, %c0_i32 : i32, i32
  }
  func.func @transform_1(%arg0: i32) -> (i32, i32) {
    %c0_i32 = arith.constant 0 : i32
    %c0_i32_0 = arith.constant 0 : i32
    %c0_i32_1 = arith.constant 0 : i32
    return %c0_i32, %c0_i32_0 : i32, i32
  }
  func.func @transform_2(%arg0: i32) -> (i32, i32) {
    %c0_i32 = arith.constant 0 : i32
    %c0_i32_0 = arith.constant 0 : i32
    %c0_i32_1 = arith.constant 0 : i32
    return %c0_i32, %c0_i32_0 : i32, i32
  }
  func.func @transform_3(%arg0: i32) -> (i32, i32) {
    %c0_i32 = arith.constant 0 : i32
    %c0_i32_0 = arith.constant 0 : i32
    return %c0_i32, %arg0 : i32, i32
  }
}

</mosaic_0001>

<sc_bundles>
// kernel: kernel.4.cloned.1.call-start
scs
__scs_entry_jumppad:
0x0: {  	(pc) =	sbr.rel $0x88, $3  }
0x1: {  	(tag) =	ssettag $0x0;
	lr =	simm.s32 $0x1  }
0x2: {  	[smem:$0x3F9E] =	sst lr;
	_ =	strace $0xD0000000  }
0x3: {  	_ = 	snop  }
0x4: {  	_ = 	snop  }
0x5: {  	_ = 	snop  }
0x6: {  	_ = 	snop  }
0x7: {  	_ = 	snop  }
__scs_overlays_trampoline_lowered:
0x8: {  	[smem:$0x3FAD] =	sst s0  }
0x9: {  	[smem:$0x3FAE] =	sst s1  }
0xa: {  	[smem:$0x3FAF] =	sst s2  }
0xb: {  	[smem:$0x3FB0] =	sst s3  }
0xc: {  	[smem:$0x3FB1] =	sst s4  }
0xd: {  	[smem:$0x3FB2] =	sst s5  }
0xe: {  	[smem:$0x3FB3] =	sst s6  }
0xf: {  	[smem:$0x3FB4] =	sst s7  }
0x10: {  	[smem:$0x3FB5] =	sst s8  }
0x11: {  	[smem:$0x3FB6] =	sst s9;
	s0 =	simm.s32 @!p0 $0x0  }
0x12: {  	s1 =	sld [smem:$0x3F9C];
	s0 =	simm.s32 @p0 $0x1  }
0x13: {  	[smem:$0x3FB7] =	sst s0;
	s0 =	simm.s32 @!p1 $0x0  }
0x14: {  	s2 =	sld [smem:$0x3F9B];
	s0 =	simm.s32 @p1 $0x1  }
0x15: {  	[smem:$0x3FB8] =	sst s0;
	s0 =	simm.s32 @!p2 $0x0  }
0x16: {  	s3 =	sld [smem:$0x3FDB];
	s0 =	simm.s32 @p2 $0x1  }
0x17: {  	s4 =	simm.s32 $0x1BF5;
	[smem:$0x3FBA] =	sst s0  }
0x18: {  	s0 =	sld [smem:$0x3F9D];
	_ =	swait.ge [sflag:s4], $0x0  }
0x19: {  	s7 =	sld [smem:$0x3F9E]  }
0x1a: {  	s8 =	sadd.s32 $0xFFFFE003, lr  }
0x1b: {  	s9 =	sadd.s32 $0xFFFFFEF7, lr;
	s5 =	simm.s32 $0xFFFFFFFF;
	p2 =	slt.u32 s8, $0xFFFFF086  }
0x1c: {  	p1 =	slt.u32 s9, $0xF7A;
	s5 =	simm.s32 @!p2 $0x0  }
0x1d: {  	s5 =	simm.s32 @p1 $0x1;
	p0 =	seq.s32 s7, s2  }
0x1e: {  	s7 =	smul.u32 @!p0 $0xF7A, s2;
	p2 =	seq.s32 @!p0 s5, $0x0  }
0x1f: {  	s9 =	smul.u32 $0xF7A, s1;
	s8 =	simm.s32 @!p0 $0x1BF5;
	p2 =	por !p2, p0  }
0x20: {  	[sflag:s8] =	ssyncset.s32 @!p0 $0xFFFFF086;
	s6 =	sadd.s32 @!p0 s3, s7;
	s7 =	simm.s32 @!p0 $0x108  }
0x21: {  	s3 =	sadd.s32 s3, s9;
	s6 =	sadd.s32 @!p0 $0x88, s6;
	s7 =	simm.s32 @p2 $0x1082  }
0x22: {  	[simem:s7], [sflag:s8] =	dma.local @!p0 [hbm:s6], $0xF7A  }
0x23: {  	s9 =	sor.u32 $0xD0000000, s2;
	s6 =	simm.s32 $0x108;
	_ =	swait.ge @!p0 [sflag:s8], $0x0  }
0x24: {  	s3 =	sadd.s32 $0x88, s3;
	s6 =	simm.s32 @!p1 $0x1082;
	[sflag:s4] =	ssyncset.s32 $0xFFFFF086  }
0x25: {  	[simem:s6], [sflag:s4] =	dma.local [hbm:s3], $0xF7A  }
0x26: {  	[smem:$0x3F9E] =	sst s1;
	(tag) =	ssettag s2;
	_ =	strace s9  }
0x27: {  	s1 =	sld [smem:$0x3FAE]  }
0x28: {  	s2 =	sld [smem:$0x3FAF]  }
0x29: {  	s4 =	sld [smem:$0x3FB1]  }
0x2a: {  	p0 =	seq.s32 s5, $0x0;
	s5 =	sld [smem:$0x3FB2]  }
0x2b: {  	s6 =	sld [smem:$0x3FB3]  }
0x2c: {  	s7 =	sld [smem:$0x3FB4]  }
0x2d: {  	s3 =	simm.s32 $0x108;
	s8 =	sld [smem:$0x3FB5]  }
0x2e: {  	s3 =	simm.s32 @!p0 $0x1082;
	s9 =	sld [smem:$0x3FB6]  }
0x2f: {  	lr =	sadd.s32 s0, s3;
	s0 =	sld [smem:$0x3FAD]  }
0x30: {  	s3 =	sld [smem:$0x3FB0]  }
0x31: {  	[smem:$0x3FB9] =	sst s10  }
0x32: {  	s10 =	sld [smem:$0x3FB7];
	_ =	sdelay $0x3  }
0x33: {  	p0 =	seq.s32 s10, $0x1;
	s10 =	sld [smem:$0x3FB9];
	_ =	sdelay $0x3  }
0x34: {  	[smem:$0x3FB9] =	sst s10  }
0x35: {  	s10 =	sld [smem:$0x3FB8];
	_ =	sdelay $0x3  }
0x36: {  	p1 =	seq.s32 s10, $0x1;
	s10 =	sld [smem:$0x3FB9];
	_ =	sdelay $0x3  }
0x37: {  	[smem:$0x3FB9] =	sst s10  }
0x38: {  	s10 =	sld [smem:$0x3FBA]  }
0x39: {  	_ = 	snop;
	(pc) =	sbr.ind lr, $3  }
0x3a: {  	_ = 	snop  }
0x3b: {  	_ = 	snop  }
0x3c: {  	p2 =	seq.s32 s10, $0x1;
	s10 =	sld [smem:$0x3FB9]  }
0x3d: {  	_ =	shalt  }
0x3e: {  	_ =	shalt  }
0x3f: {  	_ =	shalt  }
0x40: {  	_ =	shalt  }
0x41: {  	_ =	shalt  }
0x42: {  	_ =	shalt  }
0x43: {  	_ =	shalt  }
0x44: {  	_ =	shalt  }
0x45: {  	_ =	shalt  }
0x46: {  	_ =	shalt  }
0x47: {  	_ =	shalt  }
0x48: {  	_ =	shalt  }
0x49: {  	_ =	shalt  }
0x4a: {  	_ =	shalt  }
0x4b: {  	_ =	shalt  }
0x4c: {  	_ =	shalt  }
0x4d: {  	_ =	shalt  }
0x4e: {  	_ =	shalt  }
0x4f: {  	_ =	shalt  }
0x50: {  	_ =	shalt  }
0x51: {  	_ =	shalt  }
0x52: {  	_ =	shalt  }
0x53: {  	_ =	shalt  }
0x54: {  	_ =	shalt  }
0x55: {  	_ =	shalt  }
0x56: {  	_ =	shalt  }
0x57: {  	_ =	shalt  }
0x58: {  	_ =	shalt  }
0x59: {  	_ =	shalt  }
0x5a: {  	_ =	shalt  }
0x5b: {  	_ =	shalt  }
0x5c: {  	_ =	shalt  }
0x5d: {  	_ =	shalt  }
0x5e: {  	_ =	shalt  }
0x5f: {  	_ =	shalt  }
0x60: {  	_ =	shalt  }
0x61: {  	_ =	shalt  }
0x62: {  	_ =	shalt  }
0x63: {  	_ =	shalt  }
0x64: {  	_ =	shalt  }
0x65: {  	_ =	shalt  }
0x66: {  	_ =	shalt  }
0x67: {  	_ =	shalt  }
0x68: {  	_ =	shalt  }
0x69: {  	_ =	shalt  }
0x6a: {  	_ =	shalt  }
0x6b: {  	_ =	shalt  }
0x6c: {  	_ =	shalt  }
0x6d: {  	_ =	shalt  }
0x6e: {  	_ =	shalt  }
0x6f: {  	_ =	shalt  }
0x70: {  	_ =	shalt  }
0x71: {  	_ =	shalt  }
0x72: {  	_ =	shalt  }
0x73: {  	_ =	shalt  }
0x74: {  	_ =	shalt  }
0x75: {  	_ =	shalt  }
0x76: {  	_ =	shalt  }
0x77: {  	_ =	shalt  }
0x78: {  	_ =	shalt  }
0x79: {  	_ =	shalt  }
0x7a: {  	_ =	shalt  }
0x7b: {  	_ =	shalt  }
0x7c: {  	_ =	shalt  }
0x7d: {  	_ =	shalt  }
0x7e: {  	_ =	shalt  }
0x7f: {  	_ =	shalt  }
0x80: {  	_ =	shalt  }
0x81: {  	_ =	shalt  }
0x82: {  	_ =	shalt  }
0x83: {  	_ =	shalt  }
0x84: {  	_ =	shalt  }
0x85: {  	_ =	shalt  }
0x86: {  	_ =	shalt  }
0x87: {  	_ =	shalt  }
.Lfunc_end0:
.L_simem_size_0:
called_computation_lowered:
.L_overlay_start_0:
0x88: {  	s2 =	sld [smem:$0x3FD9]  }
0x89: {  	s3 =	sld [smem:$0x3FFE];
	_ =	sdelay $0x1  }
0x8a: {  	s1 =	srdreg.scid  }
0x8b: {  	s0 =	sand.u32 $0x1, s1  }
0x8c: {  	s15 =	sshll.u32 s0, $0xA;
	s2 =	sadd.s32 s3, s2  }
0x8d: {  	s2 =	sadd.s32 s2, s15  }
0x8e: {  	[smem:$0x3FC5] =	sst s2  }
0x8f: {  	_ = 	snop  }
0x90: {  	s2 =	sld [smem:$0x3FD0];
	_ =	sdelay $0x2  }
0x91: {  	s16 =	simm.s32 $0xA;
	s4 =	simm.s32 $0x10  }
0x92: {  	[smem:s4], [sflag:s16] =	dma.local [hbm:s2], $0x1  }
0x93: {  	_ =	swait.eq [sflag:s16], $0x1  }
0x94: {  	s17 =	sld [smem:$0x10];
	[sflag:s16] =	ssyncset.done $0x0  }
0x95: {  	s18 =	sld [smem:$0x11];
	[sflag:s16] =	ssyncadd.s32 $0xFFFFFFFF  }
0x96: {  	s19 =	sld [smem:$0x12];
	(tm) =	ssettm $0x1  }
0x97: {  	s5 =	sld [smem:$0x3FFB];
	_ =	sdelay $0x3  }
0x98: {  	_ =	strace s5  }
0x99: {  	s5 =	sld [smem:$0x3FFC];
	_ =	sdelay $0x3  }
0x9a: {  	_ =	strace s5  }
0x9b: {  	s5 =	sld [smem:$0x3FFD];
	_ =	sdelay $0x3  }
0x9c: {  	_ =	strace s5  }
0x9d: {  	_ =	strace $0x8FFFFFFF  }
0x9e: {  	s20 =	sld [smem:$0x3FDB];
	_ =	sdelay $0x1  }
0x9f: {  	s6 =	simm.s32 $_scs_section_size  }
0xa0: {  	s7 =	simm.s32 $_size__tile_overlayer_lowered;
	s8 =	simm.s32 $_tile_overlayer_lowered  }
0xa1: {  	s23 =	simm.s32 $0x1BFF;
	s22 =	sshll.u32 s8, $0x1;
	s5 =	sadd.s32 s6, s20  }
0xa2: {  	s9 =	simm.s32 $0x0;
	s21 =	sshll.u32 s7, $0x1;
	s7 =	sadd.s32 s22, s5  }
0xa3: {  	[timem:s9], [sflag:s23] =	dma.local [hbm:s7], s21  }
0xa4: {  	_ =	swait.ge [sflag:s23], s21  }
0xa5: {  	s6 =	ssub.s32 $0x0, s21;
	[sflag:s23] =	ssyncset.done $0x0  }
0xa6: {  	[sflag:s23] =	ssyncadd.s32 s6;
	_ =	sdelay $0x1  }
0xa7: {  	s24 =	simm.s32 $0x1B8B  }
0xa8: {  	_ =	swait.ge [sflag:s24], $0x1  }
0xa9: {  	[sflag:s24] =	ssyncset.done $0x0  }
0xaa: {  	s25 =	simm.s32 $0x1B8E;
	[sflag:s24] =	ssyncadd.s32 $0xFFFFFFFF  }
0xab: {  	s26 =	simm.s32 $execute0_lowered;
	[smem:$0x3FD2] =	sst s25  }
0xac: {  	s6 =	sshll.u32 s26, $0x1;
	_ =	strace $0x80000046;
	[dreg:$0x1] =	wrdreg $0xFFFFFFFF  }
0xad: {  	s28 =	simm.s32 $_size_execute0_lowered;
	s5 =	sadd.s32 s5, s6;
	[dreg:$0x0] =	wrdreg $0x0  }
0xae: {  	s6 =	sshll.u32 s28, $0x1;
	[dreg:$0x2] =	wrdreg s5  }
0xaf: {  	[dreg:$0x3] =	wrdreg s6  }
0xb0: {  	[dreg:$0x4] =	wrdreg $0xC0  }
0xb1: {  	_ =	task [dreg:s9], $0x5FFFF  }
0xb2: {  	[dreg:$0x1] =	wrdreg $0xFFFFFFFF  }
0xb3: {  	[dreg:$0x0] =	wrdreg $0x60  }
0xb4: {  	[dreg:$0x2] =	wrdreg s19  }
0xb5: {  	[dreg:$0x3] =	wrdreg s18  }
0xb6: {  	[dreg:$0x4] =	wrdreg s17  }
0xb7: {  	[dreg:$0x5] =	wrdreg $0x9  }
0xb8: {  	_ =	task.clear_ibuf [dreg:s9], $0x6FFFF;
	_ =	strace $0x90000046  }
0xb9: {  	s29 =	simm.s32 $0x9;
	_ =	strace $0x80000048  }
0xba: {  	_ =	swait.ge [sflag:s29], $0x1  }
0xbb: {  	[sflag:s29] =	ssyncadd.s32 $0xFFFFFFFF  }
0xbc: {  	_ =	strace $0x90000048  }
0xbd: {  	_ =	sfence  }
0xbe: {  	s30 =	sld [smem:$0x0];
	_ =	sdelay $0x2  }
0xbf: {  	s31 =	sshll.u32 s1, $0xD;
	s1 =	sshrl.u32 s1, $0x2  }
0xc0: {  	s3 =	sand.u32 $0x4000, s31;
	s1 =	sadd.s32 s1, s30  }
0xc1: {  	s0 =	sor.u32 s3, s0;
	s1 =	sshll.u32 s1, $0x11  }
0xc2: {  	s0 =	sor.u32 s1, s0  }
0xc3: {  	s0 =	sadd.s32 $0x8F2B, s0  }
0xc4: {  	[sflag:s0] =	ssyncadd.remote.s32 $0x1  }
0xc5: {  	_ =	sfence.sel $0xFFFF  }
0xc6: {  	[dreg:$0x0] =	wrdreg $0xFFFFFFFF;
	(pc) =	sbr.abs _section_cstart, $3  }
0xc7: {  	[dreg:$0x1] =	wrdreg $0xFFFFFFFF  }
0xc8: {  	_ =	task.clear_ibuf [dreg:s9], $0x2FFFF;
	_ =	strace $0x9FFFFFFF  }
0xc9: {  	(tm) =	ssettm $0x7FFFFFFF  }
tec
execute0_lowered:
.L_overlay_start_1:
0x0: {  	(tag) =	ssettag $0x1  }
0x1: {  	s3 =	rddreg [dreg:$0x0]  }
0x2: {  	s4 =	rddreg [dreg:$0x1]  }
0x3: {  	s5 =	rddreg [dreg:$0x2]  }
0x4: {  	s0 =	rddreg [dreg:$0x3];
	s2 =	simm.s32 $0x0;
	s6 =	srdreg.scid  }
0x5: {  	s1 =	stileid.u32;
	s10 =	simm.s32 $0x2;
	s11 =	simm.s32 $0x3  }
0x6: {  	s12 =	simm.s32 $0x0;
	[smem:$0x7FF] =	sst s2;
	s6 =	sand.u32 $0x1, s6  }
0x7: {  	s8 =	sshll.u32 s1, $0xA;
	s7 =	ssub.s32 $0x2, s6;
	s6 =	sshll.u32 s6, $0xE  }
0x8: {  	_ =	strace $0x80000047;
	s9 =	sshrl.u32 s7, $0x1;
	s6 =	sor.u32 s8, s6  }
0x9: {  	s7 =	ssub.s32 s7, s9;
	s3 =	sadd.s32 s3, s6;
	s8 =	sshrl.u32 s6, $0x3  }
0xa: {  	s4 =	sadd.s32 s4, s6;
	s9 =	simm.s32 $0x4000;
	s5 =	sadd.s32 s5, s8  }
0xb: {  	v0 =	vimm.s32 $0x8;
	s6 =	smax.u32 s7, $0x1;
	s7 =	simm.s32 $0x1;
	s8 =	simm.s32 $0x2000  }
.LBB2_1:
0xc: {  	[tilespmem:s2], [sflag:$0x1] =	stream.linear.gather [hbm4b:s3+s2], $0x2000, $0x38;
	[tilespmem:$0x4400] =	vst v63  }
0xd: {  	_ =	swait.ge [sflag:s7], $0x2000  }
0xe: {  	s13 =	sand.u32 $0x70, s2;
	s14 =	sand.u32 $0x1C00, s2;
	[sflag:s7] =	ssyncset.done $0x0  }
0xf: {  	s13 =	sor.u32 s13, s14;
	[sflag:s7] =	ssyncadd.s32 $0xFFFFE000  }
0x10: {  	v1 =	vld [tilespmem:s13+$0x0]  }
0x11: {  	v2 =	vld [tilespmem:s13+$0x80]  }
0x12: {  	v3 =	vld [tilespmem:s13+$0x100]  }
0x13: {  	v4 =	vld [tilespmem:s13+$0x180]  }
0x14: {  	v5 =	vld [tilespmem:s13+$0x200]  }
0x15: {  	s29 =	sor.u32 s2, s2;
	v6 =	vld [tilespmem:s13+$0x280]  }
0x16: {  	s14 =	sor.u32 $0x380, s29;
	v7 =	vld [tilespmem:s13+$0x300];
	v8 =	vmax.f32 v1, v2  }
0x17: {  	v9 =	vld [tilespmem:s14+$0x0];
	v8 =	vmax.f32 v8, v3  }
0x18: {  	v8 =	vmax.f32 v8, v4  }
0x19: {  	v8 =	vmax.f32 v8, v5  }
0x1a: {  	v8 =	vmax.f32 v8, v6  }
0x1b: {  	v8 =	vmax.f32 v8, v7  }
0x1c: {  	v8 =	vmax.f32 v8, v9  }
0x1d: {  	v10 =	vsub.f32 v1, v8  }
0x1e: {  	v11 =	vsub.f32 v2, v8  }
0x1f: {  	v10 =	vmul.f32 $1.442695020e+00, v10  }
0x20: {  	v12 =	vsub.f32 v3, v8;
	v11 =	vmul.f32 $1.442695020e+00, v11  }
0x21: {  	(erf) = vpow2.f32 v10  }
0x22: {  	v59 =	vsub.f32 v4, v8;
	v10 =	vmul.f32 $1.442695020e+00, v12;
	(erf) = vpow2.f32 v11;
	_ =	sdelay $0x1  }
0x23: {  	v60 =	vsub.f32 v5, v8;
	v11 =	vmul.f32 $1.442695020e+00, v59;
	(erf) = vpow2.f32 v10  }
0x24: {  	v61 =	vsub.f32 v6, v8  }
0x25: {  	v10 =	vmul.f32 $1.442695020e+00, v60;
	(erf) = vpow2.f32 v11  }
0x26: {  	v62 =	vsub.f32 v7, v8;
	v11 =	vmul.f32 $1.442695020e+00, v61  }
0x27: {  	(erf) = vpow2.f32 v10  }
0x28: {  	v9 =	vsub.f32 v9, v8;
	v10 =	vmul.f32 $1.442695020e+00, v62  }
0x29: {  	v63 =	vpop (erf);
	(erf) = vpow2.f32 v11  }
0x2a: {  	v9 =	vmul.f32 $1.442695020e+00, v9;
	v11 =	vpop (erf)  }
0x2b: {  	(erf) = vpow2.f32 v10;
	v13 =	vadd.f32 v11, v63  }
0x2c: {  	v10 =	vpop (erf)  }
0x2d: {  	(erf) = vpow2.f32 v9;
	v13 =	vadd.f32 v13, v10  }
0x2e: {  	v9 =	vpop (erf)  }
0x2f: {  	v13 =	vadd.f32 v13, v9  }
0x30: {  	v14 =	vpop (erf)  }
0x31: {  	v13 =	vadd.f32 v13, v14  }
0x32: {  	v15 =	vpop (erf)  }
0x33: {  	v13 =	vadd.f32 v13, v15  }
0x34: {  	v16 =	vpop (erf)  }
0x35: {  	v13 =	vadd.f32 v13, v16  }
0x36: {  	v17 =	vpop (erf)  }
0x37: {  	v13 =	vadd.f32 v13, v17;
	_ =	sdelay $0x1  }
0x38: {  	(erf) = vrcp.f32 v13;
	_ =	sdelay $0x8  }
0x39: {  	v13 =	vpop (erf)  }
0x3a: {  	v12 =	vmul.f32 v13, v63  }
0x3b: {  	v11 =	vmul.f32 v13, v11  }
0x3c: {  	vm0 =	veq.f32 v7, v8;
	v7 =	vmul.f32 v13, v10;
	[tilespmem:s13+$0x2000] =	vst v12  }
0x3d: {  	vm1 =	veq.f32 v6, v8;
	v6 =	vmul.f32 v13, v9;
	v9 =	vsel vm0, $0x7, v0;
	[tilespmem:s13+$0x2080] =	vst v11  }
0x3e: {  	vm11 =	veq.f32 v5, v8;
	v5 =	vmul.f32 v13, v14;
	[tilespmem:s13+$0x2100] =	vst v7;
	v7 =	vsel vm1, $0x6, v9  }
0x3f: {  	vm12 =	veq.f32 v4, v8;
	v4 =	vmul.f32 v13, v15;
	[tilespmem:s13+$0x2180] =	vst v6;
	v6 =	vsel vm11, $0x5, v7  }
0x40: {  	vm13 =	veq.f32 v3, v8;
	v3 =	vmul.f32 v13, v16;
	[tilespmem:s13+$0x2200] =	vst v5;
	v5 =	vsel vm12, $0x4, v6  }
0x41: {  	vm14 =	veq.f32 v2, v8;
	v2 =	vmul.f32 v13, v17;
	[tilespmem:s13+$0x2280] =	vst v4;
	v4 =	vsel vm13, $0x3, v5  }
0x42: {  	s15 =	simm.s32 $0x10;
	s16 =	simm.s32 $0x80;
	vm15 =	veq.f32 v1, v8;
	[tilespmem:s13+$0x2300] =	vst v3;
	v1 =	vsel vm14, $0x2, v4  }
0x43: {  	s30 =	sand.u32 $0x70, s15;
	s17 =	sand.u32 $0x1C00, s16;
	[tilespmem:s14+$0x2000] =	vst v2;
	v1 =	vsel vm15, $0x1, v1  }
0x44: {  	s13 =	sor.u32 s30, s17;
	[tilespmem:s9+$0x0] =	vst v1  }
0x45: {  	v1 =	vld [tilespmem:s13+$0x0]  }
0x46: {  	v2 =	vld [tilespmem:s13+$0x80]  }
0x47: {  	v3 =	vld [tilespmem:s13+$0x100]  }
0x48: {  	v4 =	vld [tilespmem:s13+$0x180]  }
0x49: {  	v5 =	vld [tilespmem:s13+$0x200]  }
0x4a: {  	s31 =	sor.u32 s16, s15;
	v6 =	vld [tilespmem:s13+$0x280]  }
0x4b: {  	s15 =	sor.u32 $0x380, s31;
	v7 =	vld [tilespmem:s13+$0x300];
	v8 =	vmax.f32 v1, v2  }
0x4c: {  	v9 =	vmax.f32 v8, v3;
	v8 =	vld [tilespmem:s15+$0x0]  }
0x4d: {  	s17 =	simm.s32 $0x20;
	s14 =	simm.s32 $0x4000;
	v9 =	vmax.f32 v9, v4  }
.LBB2_2:
0x4e: {  	p0 =	sne.s32 s17, $0x3F0;
	v9 =	vmax.f32 v9, v5  }
0x4f: {  	v9 =	vmax.f32 v9, v6  }
0x50: {  	v9 =	vmax.f32 v9, v7  }
0x51: {  	v9 =	vmax.f32 v9, v8  }
0x52: {  	v10 =	vsub.f32 v1, v9;
	vm5 =	veq.f32 v7, v9;
	vm4 =	veq.f32 v6, v9  }
0x53: {  	v11 =	vsub.f32 v2, v9;
	vm3 =	veq.f32 v5, v9;
	vm2 =	veq.f32 v4, v9  }
0x54: {  	vm1 =	veq.f32 v3, v9;
	vm0 =	veq.f32 v2, v9;
	v10 =	vmul.f32 $1.442695020e+00, v10  }
0x55: {  	v3 =	vsub.f32 v3, v9;
	v2 =	vmul.f32 $1.442695020e+00, v11  }
0x56: {  	(erf) = vpow2.f32 v10  }
0x57: {  	v4 =	vsub.f32 v4, v9;
	v3 =	vmul.f32 $1.442695020e+00, v3;
	(erf) = vpow2.f32 v2;
	_ =	sdelay $0x1  }
0x58: {  	v2 =	vmul.f32 $1.442695020e+00, v4;
	v4 =	vsub.f32 v5, v9;
	(erf) = vpow2.f32 v3;
	_ =	sdelay $0x1  }
0x59: {  	v3 =	vmul.f32 $1.442695020e+00, v4;
	v4 =	vsub.f32 v6, v9;
	(erf) = vpow2.f32 v2;
	_ =	sdelay $0x1  }
0x5a: {  	v6 =	vmul.f32 $1.442695020e+00, v4;
	v4 =	vsub.f32 v7, v9;
	(erf) = vpow2.f32 v3;
	_ =	sdelay $0x1  }
0x5b: {  	v7 =	vmul.f32 $1.442695020e+00, v4;
	v4 =	vsub.f32 v8, v9;
	v5 =	vpop (erf);
	(erf) = vpow2.f32 v6  }
0x5c: {  	v2 =	vpop (erf)  }
0x5d: {  	v8 =	vmul.f32 $1.442695020e+00, v4;
	v6 =	vadd.f32 v2, v5;
	(erf) = vpow2.f32 v7  }
0x5e: {  	v3 =	vpop (erf)  }
0x5f: {  	v6 =	vadd.f32 v6, v3;
	(erf) = vpow2.f32 v8  }
0x60: {  	v4 =	vpop (erf)  }
0x61: {  	v6 =	vadd.f32 v6, v4  }
0x62: {  	v7 =	vpop (erf)  }
0x63: {  	v6 =	vadd.f32 v6, v7  }
0x64: {  	v8 =	vpop (erf)  }
0x65: {  	v6 =	vadd.f32 v6, v8  }
0x66: {  	v10 =	vpop (erf)  }
0x67: {  	v6 =	vadd.f32 v6, v10  }
0x68: {  	v11 =	vpop (erf)  }
0x69: {  	v6 =	vadd.f32 v6, v11;
	_ =	sdelay $0x1  }
0x6a: {  	(erf) = vrcp.f32 v6;
	_ =	sdelay $0x8  }
0x6b: {  	v6 =	vpop (erf)  }
0x6c: {  	v5 =	vmul.f32 v6, v5  }
0x6d: {  	v2 =	vmul.f32 v6, v2  }
0x6e: {  	v3 =	vmul.f32 v6, v3;
	[tilespmem:s13+$0x2000] =	vst v5  }
0x6f: {  	[tilespmem:s13+$0x2080] =	vst v2;
	v2 =	vmul.f32 v6, v4;
	v4 =	vsel vm5, $0x7, v0  }
0x70: {  	[tilespmem:s13+$0x2100] =	vst v3;
	v3 =	vmul.f32 v6, v7;
	v4 =	vsel vm4, $0x6, v4  }
0x71: {  	[tilespmem:s13+$0x2180] =	vst v2;
	v2 =	vmul.f32 v6, v8;
	v4 =	vsel vm3, $0x5, v4  }
0x72: {  	[tilespmem:s13+$0x2200] =	vst v3;
	v3 =	vmul.f32 v6, v10;
	v4 =	vsel vm2, $0x4, v4  }
0x73: {  	[tilespmem:s13+$0x2280] =	vst v2;
	v2 =	vmul.f32 v6, v11;
	v4 =	vsel vm1, $0x3, v4  }
0x74: {  	s16 =	sadd.s32 $0x80, s16;
	vm1 =	veq.f32 v1, v9;
	[tilespmem:s13+$0x2300] =	vst v3;
	v1 =	vsel vm0, $0x2, v4  }
0x75: {  	s14 =	sadd.s32 $0x10, s14;
	s18 =	sand.u32 $0x1C00, s16;
	s13 =	sand.u32 $0x70, s17;
	[tilespmem:s15+$0x2000] =	vst v2;
	v1 =	vsel vm1, $0x1, v1  }
0x76: {  	s13 =	sor.u32 s13, s18;
	[tilespmem:s14+$0x0] =	vst v1  }
0x77: {  	v1 =	vld [tilespmem:s13+$0x0]  }
0x78: {  	v2 =	vld [tilespmem:s13+$0x80]  }
0x79: {  	v3 =	vld [tilespmem:s13+$0x100]  }
0x7a: {  	v4 =	vld [tilespmem:s13+$0x180]  }
.Ltmp0:
0x7b: {  	v5 =	vld [tilespmem:s13+$0x200];
	(pc) =	sbr.rel @p0 .LBB2_2-.Ltmp0, $4  }
0x7c: {  	s15 =	sor.u32 s16, s17;
	v6 =	vld [tilespmem:s13+$0x280]  }
0x7d: {  	s15 =	sor.u32 $0x380, s15;
	v7 =	vld [tilespmem:s13+$0x300];
	v9 =	vmax.f32 v1, v2  }
0x7e: {  	v8 =	vld [tilespmem:s15+$0x0];
	v9 =	vmax.f32 v9, v3  }
0x7f: {  	s17 =	sadd.s32 $0x10, s17;
	v9 =	vmax.f32 v9, v4  }
0x80: {  	v9 =	vmax.f32 v9, v5  }
0x81: {  	v9 =	vmax.f32 v9, v6  }
0x82: {  	v9 =	vmax.f32 v9, v7  }
0x83: {  	v9 =	vmax.f32 v9, v8  }
0x84: {  	v10 =	vsub.f32 v1, v9  }
0x85: {  	v11 =	vsub.f32 v2, v9  }
0x86: {  	v10 =	vmul.f32 $1.442695020e+00, v10  }
0x87: {  	v12 =	vsub.f32 v3, v9;
	v11 =	vmul.f32 $1.442695020e+00, v11  }
0x88: {  	(erf) = vpow2.f32 v10  }
0x89: {  	v43 =	vsub.f32 v4, v9;
	v42 =	vmul.f32 $1.442695020e+00, v12;
	(erf) = vpow2.f32 v11;
	_ =	sdelay $0x1  }
0x8a: {  	v45 =	vsub.f32 v5, v9;
	v44 =	vmul.f32 $1.442695020e+00, v43;
	(erf) = vpow2.f32 v42;
	_ =	sdelay $0x1  }
0x8b: {  	v47 =	vsub.f32 v6, v9;
	v46 =	vmul.f32 $1.442695020e+00, v45;
	(erf) = vpow2.f32 v44;
	_ =	sdelay $0x1  }
0x8c: {  	v49 =	vsub.f32 v7, v9;
	v48 =	vmul.f32 $1.442695020e+00, v47;
	(erf) = vpow2.f32 v46;
	_ =	sdelay $0x1  }
0x8d: {  	v8 =	vsub.f32 v8, v9;
	v50 =	vmul.f32 $1.442695020e+00, v49;
	v51 =	vpop (erf);
	(erf) = vpow2.f32 v48  }
0x8e: {  	v52 =	vpop (erf)  }
0x8f: {  	v8 =	vmul.f32 $1.442695020e+00, v8;
	(erf) = vpow2.f32 v50;
	v13 =	vadd.f32 v52, v51  }
0x90: {  	v53 =	vpop (erf)  }
0x91: {  	(erf) = vpow2.f32 v8;
	v13 =	vadd.f32 v13, v53  }
0x92: {  	v54 =	vpop (erf)  }
0x93: {  	v13 =	vadd.f32 v13, v54  }
0x94: {  	v14 =	vpop (erf)  }
0x95: {  	v13 =	vadd.f32 v13, v14  }
0x96: {  	v15 =	vpop (erf)  }
0x97: {  	v13 =	vadd.f32 v13, v15  }
0x98: {  	v16 =	vpop (erf)  }
0x99: {  	v13 =	vadd.f32 v13, v16  }
0x9a: {  	v17 =	vpop (erf)  }
0x9b: {  	v13 =	vadd.f32 v13, v17;
	_ =	sdelay $0x1  }
0x9c: {  	(erf) = vrcp.f32 v13;
	_ =	sdelay $0x8  }
0x9d: {  	v13 =	vpop (erf)  }
0x9e: {  	v12 =	vmul.f32 v13, v51  }
0x9f: {  	v11 =	vmul.f32 v13, v52  }
0xa0: {  	vm0 =	veq.f32 v7, v9;
	v55 =	vmul.f32 v13, v53;
	[tilespmem:s13+$0x2000] =	vst v12  }
0xa1: {  	vm1 =	veq.f32 v6, v9;
	v57 =	vsel vm0, $0x7, v0;
	v56 =	vmul.f32 v13, v54;
	[tilespmem:s13+$0x2080] =	vst v11  }
0xa2: {  	vm11 =	veq.f32 v5, v9;
	v59 =	vsel vm1, $0x6, v57;
	v58 =	vmul.f32 v13, v14;
	[tilespmem:s13+$0x2100] =	vst v55  }
0xa3: {  	vm12 =	veq.f32 v4, v9;
	v61 =	vsel vm11, $0x5, v59;
	v60 =	vmul.f32 v13, v15;
	[tilespmem:s13+$0x2180] =	vst v56  }
0xa4: {  	vm13 =	veq.f32 v3, v9;
	v62 =	vsel vm12, $0x4, v61;
	v3 =	vmul.f32 v13, v16;
	[tilespmem:s13+$0x2200] =	vst v58  }
0xa5: {  	vm14 =	veq.f32 v2, v9;
	v63 =	vsel vm13, $0x3, v62;
	v2 =	vmul.f32 v13, v17;
	[tilespmem:s13+$0x2280] =	vst v60  }
0xa6: {  	vm15 =	veq.f32 v1, v9;
	v1 =	vsel vm14, $0x2, v63;
	[tilespmem:s13+$0x2300] =	vst v3  }
0xa7: {  	s31 =	sadd.s32 $0x10, s14;
	v1 =	vsel vm15, $0x1, v1;
	[tilespmem:s15+$0x2000] =	vst v2  }
0xa8: {  	[tilespmem:s31+$0x0] =	vst v1  }
0xa9: {  	[hbm4b:s4+s2] =	stream.linear.scatter [tilespmem:s8], [sflag:$0x2], $0x2000, $0x38;
	[tilespmem:$0x4400] =	vst v63  }
0xaa: {  	s12 =	sadd.s32 $0x1, s12  }
0xab: {  	[hbm4b:s5+s2] =	stream.linear.scatter [tilespmem:s9], [sflag:$0x3], $0x400, $0x38;
	[tilespmem:$0x4400] =	vst v63  }
0xac: {  	p0 =	sne.s32 s12, s6;
	_ =	swait.ge [sflag:s10], $0x2000  }
.Ltmp1:
0xad: {  	[sflag:s10] =	ssyncset.done $0x0;
	(pc) =	sbr.rel @p0 .LBB2_1-.Ltmp1, $4  }
0xae: {  	[sflag:s10] =	ssyncadd.s32 $0xFFFFE000  }
0xaf: {  	_ =	swait.ge [sflag:s11], $0x400  }
0xb0: {  	[sflag:s11] =	ssyncset.done $0x0  }
0xb1: {  	[sflag:s11] =	ssyncadd.s32 $0xFFFFFC00  }
0xb2: {  	_ =	sfence.sel $0x180000  }
0xb3: {  	[bflag:$0x0] =	sbarrier.arrive $0xFFFF  }
0xb4: {  	p0 =	sne.s32 s1, $0x0;
	_ =	strace $0x90000047  }
0xb5: {  	s0 =	sadd.s32 @!p0 $0x100000, s0;
	[bflag:$0x2] =	sbarrier.arrive $0xFFFF  }
0xb6: {  	[sflag:s0] =	ssyncadd.tile.s32 @!p0 $0x1;
	_ =	shalt  }
.Lfunc_end2:
_tile_overlayer_lowered:
.L_overlay_start_2:
0xb7: {  	(tag) =	ssettag $0x2  }
0xb8: {  	s0 =	rddreg [dreg:$0x0];
	s2 =	stileid.u32  }
0xb9: {  	s1 =	rddreg [dreg:$0x1];
	p0 =	sne.s32 s2, $0x0  }
0xba: {  	s3 =	rddreg [dreg:$0x2];
	[bflag:$0x3] =	sbarrier.arrive $0xFFFF;
	s2 =	simm.s32 @!p0 $0x1C04  }
0xbb: {  	[timem:s3], [sflag:s2] =	dma.local @!p0 [hbm:s0], s1  }
0xbc: {  	s0 =	simm.s32 @!p0 $0x4  }
0xbd: {  	_ =	swait.ge @!p0 [sflag:s0], s1  }
0xbe: {  	s1 =	ssub.s32 @!p0 $0x0, s1;
	[sflag:s0] =	ssyncset.done @!p0 $0x0  }
0xbf: {  	[sflag:s0] =	ssyncadd.s32 @!p0 s1  }
0xc0: {  	[bflag:$0x3] =	sbarrier.arrive $0xFFFF  }
0xc1: {  	_ =	shalt  }

</sc_bundles>
